<compile_context>
chip_gen: v7x
topology: tpu7x:2x2x1
jax: 0.10.2.dev20260603
libtpu: 0.0.44.dev20260713+nightly
codegen_flags: <defaults>
</compile_context>

<pallas_src>
import jax
import jax.numpy as jnp
from jax.experimental import pallas as pl


def _feat_body(cl_ref, s_ref, sb_ref, sc_ref):
    x = cl_ref[...]
    s = jax.nn.sigmoid(x)
    s_ref[...] = s
    sb_ref[...] = jnp.minimum(1.0 - s, s)
    ms = jnp.max(s, axis=-1, keepdims=True)
    lp = jnp.log(ms + 1e-8)
    ln = jnp.log(1.0 - ms + 1e-8)
    sc_ref[...] = jnp.concatenate([lp, ln, ms], axis=-1)


def _expand_body(bb_ref, s_ref, sb_ref, sc_ref, out_ref):
    x = pl.program_id(1)
    N = s_ref.shape[1]
    P = N - 1

    rid = jax.lax.broadcasted_iota(jnp.int32, (P, 1), 0)
    cond = rid < x

    def sel(ref):
        return jnp.where(cond, ref[0, : N - 1, :], ref[0, 1:N, :])

    def bc(ref):
        row = ref[0, pl.ds(x, 1), :]
        return jnp.broadcast_to(row, (P, ref.shape[2]))

    bbY = sel(bb_ref)
    sY = sel(s_ref)
    sbY = sel(sb_ref)
    scY = sel(sc_ref)
    bbX = bc(bb_ref)
    sX = bc(s_ref)
    sbX = bc(sb_ref)
    scX = bc(sc_ref)

    out_ref[0, 0] = jnp.concatenate(
        [
            bbX, bbY, sX, sY, sbX, sbY,
            scX[:, 0:1], scY[:, 0:1],
            scX[:, 1:2], scY[:, 1:2],
            scX[:, 2:3], scY[:, 2:3],
        ],
        axis=1,
    )


def kernel(class_logits, pred_bboxes):
    B, N, C = class_logits.shape
    W = 8 + 4 * C + 6

    s, sb, sc = pl.pallas_call(
        _feat_body,
        grid=(B,),
        in_specs=[pl.BlockSpec((1, N, C), lambda b: (b, 0, 0))],
        out_specs=[
            pl.BlockSpec((1, N, C), lambda b: (b, 0, 0)),
            pl.BlockSpec((1, N, C), lambda b: (b, 0, 0)),
            pl.BlockSpec((1, N, 3), lambda b: (b, 0, 0)),
        ],
        out_shape=[
            jax.ShapeDtypeStruct((B, N, C), jnp.float32),
            jax.ShapeDtypeStruct((B, N, C), jnp.float32),
            jax.ShapeDtypeStruct((B, N, 3), jnp.float32),
        ],
    )(class_logits)

    out4 = pl.pallas_call(
        _expand_body,
        grid=(B, N),
        in_specs=[
            pl.BlockSpec((1, N, 4), lambda b, x: (b, 0, 0)),
            pl.BlockSpec((1, N, C), lambda b, x: (b, 0, 0)),
            pl.BlockSpec((1, N, C), lambda b, x: (b, 0, 0)),
            pl.BlockSpec((1, N, 3), lambda b, x: (b, 0, 0)),
        ],
        out_specs=pl.BlockSpec((1, 1, N - 1, W), lambda b, x: (b, x, 0, 0)),
        out_shape=jax.ShapeDtypeStruct((B, N, N - 1, W), jnp.float32),
    )(pred_bboxes, s, sb, sc)

    return out4.reshape(B, N * (N - 1), W)

# --- scband reference (transcript-rebuilt; emitter-appended) ---
"""Pipeline reference for scband-roibox-head-37649683316894 (READ-ONLY COPY).

The authoritative reference and input builder live on the scoring server;
editing this copy changes nothing except your own understanding.
"""

import jax, jax.numpy as jnp
import numpy as np


def _pair_indices(n):
    X, Y = np.meshgrid(np.arange(n), np.arange(n), indexing='ij')
    X = X.reshape(-1)
    Y = Y.reshape(-1)
    m = X != Y
    return jnp.asarray(X[m], dtype=jnp.int32), jnp.asarray(Y[m], dtype=jnp.int32)


def setup_inputs(seed: int = 0) -> dict:
    key = jax.random.key(seed)
    k1, k2 = jax.random.split(key)
    class_logits = jax.random.normal(k1, (4, 150, 150), dtype=jnp.float32)
    pred_bboxes = jax.random.uniform(k2, (4, 150, 4), dtype=jnp.float32)
    return {"class_logits": class_logits, "pred_bboxes": pred_bboxes}


def reference(class_logits, pred_bboxes):
    # Faithful vectorized port of make_pair_prediction_unit tensor math
    # (pure_ent_indices=None branch), batched over images.
    B, N, C = class_logits.shape
    X, Y = _pair_indices(N)

    score_class = jax.nn.sigmoid(class_logits)                      # [B,N,C]
    max_score = jnp.max(score_class, axis=-1)                       # [B,N]
    distri_score = score_class                                      # pure_ent_indices is None
    soft_bg_score = jnp.minimum(1.0 - distri_score, jax.nn.sigmoid(class_logits))

    log_pos = jnp.log(max_score + 1e-08)[..., None]                 # [B,N,1]
    log_neg = jnp.log(1.0 - max_score + 1e-08)[..., None]           # [B,N,1]
    ms = max_score[..., None]                                       # [B,N,1]

    def pair(t):
        # gather sub/obj entity features and concat along last dim -> [B,P,2*d]
        return jnp.concatenate((jnp.take(t, X, axis=1), jnp.take(t, Y, axis=1)), axis=-1)

    boxes_pair = pair(pred_bboxes)        # [B,P,8]
    distri_pair = pair(distri_score)      # [B,P,2C]
    soft_bg_pair = pair(soft_bg_score)    # [B,P,2C]
    logit_pair = pair(log_pos)            # [B,P,2]
    logit_neg_pair = pair(log_neg)        # [B,P,2]
    score_pair = pair(ms)                 # [B,P,2]

    return jnp.concatenate(
        [boxes_pair, distri_pair, soft_bg_pair, logit_pair, logit_neg_pair, score_pair],
        axis=-1,
    )

if __name__ == "__main__":
    import jax
    _d = setup_inputs()
    print(jax.jit(kernel)(*tuple(_d.values())))

</pallas_src>

<mosaic_0001>
module attributes {stable_mosaic.version = 14 : i64} {
  func.func @_expand_body(%arg0: i32, %arg1: i32, %arg2: memref<1x150x4xf32, #tpu.memory_space<vmem>>, %arg3: memref<1x150x150xf32, #tpu.memory_space<vmem>>, %arg4: memref<1x150x150xf32, #tpu.memory_space<vmem>>, %arg5: memref<1x150x3xf32, #tpu.memory_space<vmem>>, %arg6: memref<1x1x149x614xf32, #tpu.memory_space<vmem>>) attributes {dimension_semantics = [#tpu.dimension_semantics<arbitrary>, #tpu.dimension_semantics<arbitrary>], iteration_bounds = array<i64: 4, 150>, scalar_prefetch = 0 : i64, scratch_operands = 0 : i64, tpu.core_type = #tpu.core_type<tc>, window_params = [{transform_indices = @transform_0, window_bounds = array<i64: 1, 150, 4>}, {transform_indices = @transform_1, window_bounds = array<i64: 1, 150, 150>}, {transform_indices = @transform_2, window_bounds = array<i64: 1, 150, 150>}, {transform_indices = @transform_3, window_bounds = array<i64: 1, 150, 3>}, {transform_indices = @transform_4, window_bounds = array<i64: 1, 1, 149, 614>}]} {
    %iota3A = tpu.iota {dimensions = array<i32: 0>} : vector<149x1xi32>
    %lt3A = vector.broadcast %arg1 : i32 to vector<149x1xi32>
    %lt3A_0 = arith.cmpi slt, %iota3A, %lt3A : vector<149x1xi32>
    %get3A = arith.constant 0 : index
    %get3A_1 = arith.constant 0 : index
    %get3A_2 = arith.constant 0 : index
    %get3A_3 = vector.load %arg2[%get3A, %get3A_1, %get3A_2] : memref<1x150x4xf32, #tpu.memory_space<vmem>>, vector<1x149x4xf32>
    %get3A_4 = vector.shape_cast %get3A_3 : vector<1x149x4xf32> to vector<149x4xf32>
    %get3A_5 = arith.constant 0 : index
    %get3A_6 = arith.constant 1 : index
    %get3A_7 = arith.constant 0 : index
    %get3A_8 = vector.load %arg2[%get3A_5, %get3A_6, %get3A_7] : memref<1x150x4xf32, #tpu.memory_space<vmem>>, vector<1x149x4xf32>
    %get3A_9 = vector.shape_cast %get3A_8 : vector<1x149x4xf32> to vector<149x4xf32>
    %broadcast_in_dim3A = vector.shape_cast %lt3A_0 : vector<149x1xi1> to vector<149x1xi1>
    %broadcast_in_dim3A_10 = vector.broadcast %broadcast_in_dim3A : vector<149x1xi1> to vector<149x4xi1>
    %select_n3A = arith.select %broadcast_in_dim3A_10, %get3A_4, %get3A_9 : vector<149x4xi1>, vector<149x4xf32>
    %get3A_11 = arith.constant 0 : index
    %get3A_12 = arith.constant 0 : index
    %get3A_13 = arith.constant 0 : index
    %get3A_14 = vector.load %arg3[%get3A_11, %get3A_12, %get3A_13] : memref<1x150x150xf32, #tpu.memory_space<vmem>>, vector<1x149x150xf32>
    %get3A_15 = vector.shape_cast %get3A_14 : vector<1x149x150xf32> to vector<149x150xf32>
    %get3A_16 = arith.constant 0 : index
    %get3A_17 = arith.constant 1 : index
    %get3A_18 = arith.constant 0 : index
    %get3A_19 = vector.load %arg3[%get3A_16, %get3A_17, %get3A_18] : memref<1x150x150xf32, #tpu.memory_space<vmem>>, vector<1x149x150xf32>
    %get3A_20 = vector.shape_cast %get3A_19 : vector<1x149x150xf32> to vector<149x150xf32>
    %broadcast_in_dim3A_21 = vector.shape_cast %lt3A_0 : vector<149x1xi1> to vector<149x1xi1>
    %broadcast_in_dim3A_22 = vector.broadcast %broadcast_in_dim3A_21 : vector<149x1xi1> to vector<149x150xi1>
    %select_n3A_23 = arith.select %broadcast_in_dim3A_22, %get3A_15, %get3A_20 : vector<149x150xi1>, vector<149x150xf32>
    %get3A_24 = arith.constant 0 : index
    %get3A_25 = arith.constant 0 : index
    %get3A_26 = arith.constant 0 : index
    %get3A_27 = vector.load %arg4[%get3A_24, %get3A_25, %get3A_26] : memref<1x150x150xf32, #tpu.memory_space<vmem>>, vector<1x149x150xf32>
    %get3A_28 = vector.shape_cast %get3A_27 : vector<1x149x150xf32> to vector<149x150xf32>
    %get3A_29 = arith.constant 0 : index
    %get3A_30 = arith.constant 1 : index
    %get3A_31 = arith.constant 0 : index
    %get3A_32 = vector.load %arg4[%get3A_29, %get3A_30, %get3A_31] : memref<1x150x150xf32, #tpu.memory_space<vmem>>, vector<1x149x150xf32>
    %get3A_33 = vector.shape_cast %get3A_32 : vector<1x149x150xf32> to vector<149x150xf32>
    %broadcast_in_dim3A_34 = vector.shape_cast %lt3A_0 : vector<149x1xi1> to vector<149x1xi1>
    %broadcast_in_dim3A_35 = vector.broadcast %broadcast_in_dim3A_34 : vector<149x1xi1> to vector<149x150xi1>
    %select_n3A_36 = arith.select %broadcast_in_dim3A_35, %get3A_28, %get3A_33 : vector<149x150xi1>, vector<149x150xf32>
    %get3A_37 = arith.constant 0 : index
    %get3A_38 = arith.constant 0 : index
    %get3A_39 = arith.constant 0 : index
    %get3A_40 = vector.load %arg5[%get3A_37, %get3A_38, %get3A_39] : memref<1x150x3xf32, #tpu.memory_space<vmem>>, vector<1x149x3xf32>
    %get3A_41 = vector.shape_cast %get3A_40 : vector<1x149x3xf32> to vector<149x3xf32>
    %get3A_42 = arith.constant 0 : index
    %get3A_43 = arith.constant 1 : index
    %get3A_44 = arith.constant 0 : index
    %get3A_45 = vector.load %arg5[%get3A_42, %get3A_43, %get3A_44] : memref<1x150x3xf32, #tpu.memory_space<vmem>>, vector<1x149x3xf32>
    %get3A_46 = vector.shape_cast %get3A_45 : vector<1x149x3xf32> to vector<149x3xf32>
    %broadcast_in_dim3A_47 = vector.shape_cast %lt3A_0 : vector<149x1xi1> to vector<149x1xi1>
    %broadcast_in_dim3A_48 = vector.broadcast %broadcast_in_dim3A_47 : vector<149x1xi1> to vector<149x3xi1>
    %select_n3A_49 = arith.select %broadcast_in_dim3A_48, %get3A_41, %get3A_46 : vector<149x3xi1>, vector<149x3xf32>
    %get3A_50 = arith.constant 0 : index
    %get3A_51 = arith.index_cast %arg1 : i32 to index
    %get3A_52 = arith.constant 0 : index
    %get3A_53 = vector.load %arg2[%get3A_50, %get3A_51, %get3A_52] : memref<1x150x4xf32, #tpu.memory_space<vmem>>, vector<1x1x4xf32>
    %get3A_54 = vector.shape_cast %get3A_53 : vector<1x1x4xf32> to vector<1x4xf32>
    %broadcast_in_dim3A_55 = vector.shape_cast %get3A_54 : vector<1x4xf32> to vector<1x4xf32>
    %broadcast_in_dim3A_56 = vector.broadcast %broadcast_in_dim3A_55 : vector<1x4xf32> to vector<149x4xf32>
    %get3A_57 = arith.constant 0 : index
    %get3A_58 = arith.index_cast %arg1 : i32 to index
    %get3A_59 = arith.constant 0 : index
    %get3A_60 = vector.load %arg3[%get3A_57, %get3A_58, %get3A_59] : memref<1x150x150xf32, #tpu.memory_space<vmem>>, vector<1x1x150xf32>
    %get3A_61 = vector.shape_cast %get3A_60 : vector<1x1x150xf32> to vector<1x150xf32>
    %broadcast_in_dim3A_62 = vector.shape_cast %get3A_61 : vector<1x150xf32> to vector<1x150xf32>
    %broadcast_in_dim3A_63 = vector.broadcast %broadcast_in_dim3A_62 : vector<1x150xf32> to vector<149x150xf32>
    %get3A_64 = arith.constant 0 : index
    %get3A_65 = arith.index_cast %arg1 : i32 to index
    %get3A_66 = arith.constant 0 : index
    %get3A_67 = vector.load %arg4[%get3A_64, %get3A_65, %get3A_66] : memref<1x150x150xf32, #tpu.memory_space<vmem>>, vector<1x1x150xf32>
    %get3A_68 = vector.shape_cast %get3A_67 : vector<1x1x150xf32> to vector<1x150xf32>
    %broadcast_in_dim3A_69 = vector.shape_cast %get3A_68 : vector<1x150xf32> to vector<1x150xf32>
    %broadcast_in_dim3A_70 = vector.broadcast %broadcast_in_dim3A_69 : vector<1x150xf32> to vector<149x150xf32>
    %get3A_71 = arith.constant 0 : index
    %get3A_72 = arith.index_cast %arg1 : i32 to index
    %get3A_73 = arith.constant 0 : index
    %get3A_74 = vector.load %arg5[%get3A_71, %get3A_72, %get3A_73] : memref<1x150x3xf32, #tpu.memory_space<vmem>>, vector<1x1x3xf32>
    %get3A_75 = vector.shape_cast %get3A_74 : vector<1x1x3xf32> to vector<1x3xf32>
    %broadcast_in_dim3A_76 = vector.shape_cast %get3A_75 : vector<1x3xf32> to vector<1x3xf32>
    %broadcast_in_dim3A_77 = vector.broadcast %broadcast_in_dim3A_76 : vector<1x3xf32> to vector<149x3xf32>
    %slice3A = vector.extract_strided_slice %broadcast_in_dim3A_77 {offsets = [0, 0], sizes = [149, 1], strides = [1, 1]} : vector<149x3xf32> to vector<149x1xf32>
    %slice3A_78 = vector.extract_strided_slice %select_n3A_49 {offsets = [0, 0], sizes = [149, 1], strides = [1, 1]} : vector<149x3xf32> to vector<149x1xf32>
    %slice3A_79 = vector.extract_strided_slice %broadcast_in_dim3A_77 {offsets = [0, 1], sizes = [149, 1], strides = [1, 1]} : vector<149x3xf32> to vector<149x1xf32>
    %slice3A_80 = vector.extract_strided_slice %select_n3A_49 {offsets = [0, 1], sizes = [149, 1], strides = [1, 1]} : vector<149x3xf32> to vector<149x1xf32>
    %slice3A_81 = vector.extract_strided_slice %broadcast_in_dim3A_77 {offsets = [0, 2], sizes = [149, 1], strides = [1, 1]} : vector<149x3xf32> to vector<149x1xf32>
    %slice3A_82 = vector.extract_strided_slice %select_n3A_49 {offsets = [0, 2], sizes = [149, 1], strides = [1, 1]} : vector<149x3xf32> to vector<149x1xf32>
    %concatenate3A = tpu.concatenate %broadcast_in_dim3A_56, %select_n3A, %broadcast_in_dim3A_63, %select_n3A_23, %broadcast_in_dim3A_70, %select_n3A_36, %slice3A, %slice3A_78, %slice3A_79, %slice3A_80, %slice3A_81, %slice3A_82 in 1 : vector<149x4xf32>, vector<149x4xf32>, vector<149x150xf32>, vector<149x150xf32>, vector<149x150xf32>, vector<149x150xf32>, vector<149x1xf32>, vector<149x1xf32>, vector<149x1xf32>, vector<149x1xf32>, vector<149x1xf32>, vector<149x1xf32> -> vector<149x614xf32>
    %swap3A = arith.constant 0 : index
    %swap3A_83 = arith.constant 0 : index
    %swap3A_84 = arith.constant 0 : index
    %swap3A_85 = arith.constant 0 : index
    %swap3A_86 = vector.load %arg6[%swap3A, %swap3A_83, %swap3A_84, %swap3A_85] : memref<1x1x149x614xf32, #tpu.memory_space<vmem>>, vector<1x1x149x614xf32>
    %swap3A_87 = vector.shape_cast %swap3A_86 : vector<1x1x149x614xf32> to vector<149x614xf32>
    %swap3A_88 = vector.shape_cast %concatenate3A : vector<149x614xf32> to vector<1x1x149x614xf32>
    tpu.vector_store %arg6[%swap3A, %swap3A_83, %swap3A_84, %swap3A_85], %swap3A_88 {strides = array<i32>} : memref<1x1x149x614xf32, #tpu.memory_space<vmem>>, vector<1x1x149x614xf32>,
    return
  }
  func.func @transform_0(%arg0: i32, %arg1: i32) -> (i32, i32, i32) {
    %c0_i32 = arith.constant 0 : i32
    %c0_i32_0 = arith.constant 0 : i32
    %c0_i32_1 = arith.constant 0 : i32
    return %arg0, %c0_i32, %c0_i32_0 : i32, i32, i32
  }
  func.func @transform_1(%arg0: i32, %arg1: i32) -> (i32, i32, i32) {
    %c0_i32 = arith.constant 0 : i32
    %c0_i32_0 = arith.constant 0 : i32
    %c0_i32_1 = arith.constant 0 : i32
    return %arg0, %c0_i32, %c0_i32_0 : i32, i32, i32
  }
  func.func @transform_2(%arg0: i32, %arg1: i32) -> (i32, i32, i32) {
    %c0_i32 = arith.constant 0 : i32
    %c0_i32_0 = arith.constant 0 : i32
    %c0_i32_1 = arith.constant 0 : i32
    return %arg0, %c0_i32, %c0_i32_0 : i32, i32, i32
  }
  func.func @transform_3(%arg0: i32, %arg1: i32) -> (i32, i32, i32) {
    %c0_i32 = arith.constant 0 : i32
    %c0_i32_0 = arith.constant 0 : i32
    %c0_i32_1 = arith.constant 0 : i32
    return %arg0, %c0_i32, %c0_i32_0 : i32, i32, i32
  }
  func.func @transform_4(%arg0: i32, %arg1: i32) -> (i32, i32, i32, i32) {
    %c0_i32 = arith.constant 0 : i32
    %c0_i32_0 = arith.constant 0 : i32
    %c0_i32_1 = arith.constant 0 : i32
    return %arg0, %arg1, %c0_i32, %c0_i32_0 : i32, i32, i32, i32
  }
}

module attributes {stable_mosaic.version = 14 : i64} {
  func.func @_feat_body(%arg0: i32, %arg1: memref<1x150x150xf32, #tpu.memory_space<vmem>>, %arg2: memref<1x150x150xf32, #tpu.memory_space<vmem>>, %arg3: memref<1x150x150xf32, #tpu.memory_space<vmem>>, %arg4: memref<1x150x3xf32, #tpu.memory_space<vmem>>) attributes {dimension_semantics = [#tpu.dimension_semantics<arbitrary>], iteration_bounds = array<i64: 4>, scalar_prefetch = 0 : i64, scratch_operands = 0 : i64, tpu.core_type = #tpu.core_type<tc>, window_params = [{transform_indices = @transform_0, window_bounds = array<i64: 1, 150, 150>}, {transform_indices = @transform_1, window_bounds = array<i64: 1, 150, 150>}, {transform_indices = @transform_2, window_bounds = array<i64: 1, 150, 150>}, {transform_indices = @transform_3, window_bounds = array<i64: 1, 150, 3>}]} {
    %get3A = arith.constant 0 : index
    %get3A_0 = arith.constant 0 : index
    %get3A_1 = arith.constant 0 : index
    %get3A_2 = vector.load %arg1[%get3A, %get3A_0, %get3A_1] : memref<1x150x150xf32, #tpu.memory_space<vmem>>, vector<1x150x150xf32>
    %logistic3A = arith.negf %get3A_2 : vector<1x150x150xf32>
    %logistic3A_3 = math.exp %logistic3A : vector<1x150x150xf32>
    %logistic3A_4 = arith.constant 1.000000e+00 : f32
    %logistic3A_5 = vector.broadcast %logistic3A_4 : f32 to vector<1x150x150xf32>
    %logistic3A_6 = arith.addf %logistic3A_5, %logistic3A_3 : vector<1x150x150xf32>
    %logistic3A_7 = arith.divf %logistic3A_5, %logistic3A_6 : vector<1x150x150xf32>
    %swap3A = arith.constant 0 : index
    %swap3A_8 = arith.constant 0 : index
    %swap3A_9 = arith.constant 0 : index
    %swap3A_10 = vector.load %arg2[%swap3A, %swap3A_8, %swap3A_9] : memref<1x150x150xf32, #tpu.memory_space<vmem>>, vector<1x150x150xf32>
    tpu.vector_store %arg2[%swap3A, %swap3A_8, %swap3A_9], %logistic3A_7 {strides = array<i32>} : memref<1x150x150xf32, #tpu.memory_space<vmem>>, vector<1x150x150xf32>,
    %sub3A = arith.constant 1.000000e+00 : f32
    %sub3A_11 = vector.broadcast %sub3A : f32 to vector<1x150x150xf32>
    %sub3A_12 = arith.subf %sub3A_11, %logistic3A_7 : vector<1x150x150xf32>
    %min3A = arith.minimumf %sub3A_12, %logistic3A_7 : vector<1x150x150xf32>
    %swap3A_13 = arith.constant 0 : index
    %swap3A_14 = arith.constant 0 : index
    %swap3A_15 = arith.constant 0 : index
    %swap3A_16 = vector.load %arg3[%swap3A_13, %swap3A_14, %swap3A_15] : memref<1x150x150xf32, #tpu.memory_space<vmem>>, vector<1x150x150xf32>
    tpu.vector_store %arg3[%swap3A_13, %swap3A_14, %swap3A_15], %min3A {strides = array<i32>} : memref<1x150x150xf32, #tpu.memory_space<vmem>>, vector<1x150x150xf32>,
    %reduce_max3A = arith.constant dense<0xFF800000> : vector<1x150xf32>
    %reduce_max3A_17 = vector.multi_reduction <maximumf>, %logistic3A_7, %reduce_max3A [2] : vector<1x150x150xf32> to vector<1x150xf32>
    %broadcast_in_dim3A = vector.shape_cast %reduce_max3A_17 : vector<1x150xf32> to vector<1x150x1xf32>
    %add3A = arith.constant 9.99999993E-9 : f32
    %add3A_18 = vector.broadcast %add3A : f32 to vector<1x150x1xf32>
    %add3A_19 = arith.addf %broadcast_in_dim3A, %add3A_18 : vector<1x150x1xf32>
    %log3A = math.log %add3A_19 : vector<1x150x1xf32>
    %sub3A_20 = arith.constant 1.000000e+00 : f32
    %sub3A_21 = vector.broadcast %sub3A_20 : f32 to vector<1x150x1xf32>
    %sub3A_22 = arith.subf %sub3A_21, %broadcast_in_dim3A : vector<1x150x1xf32>
    %add3A_23 = arith.constant 9.99999993E-9 : f32
    %add3A_24 = vector.broadcast %add3A_23 : f32 to vector<1x150x1xf32>
    %add3A_25 = arith.addf %sub3A_22, %add3A_24 : vector<1x150x1xf32>
    %log3A_26 = math.log %add3A_25 : vector<1x150x1xf32>
    %concatenate3A = tpu.concatenate %log3A, %log3A_26, %broadcast_in_dim3A in 2 : vector<1x150x1xf32>, vector<1x150x1xf32>, vector<1x150x1xf32> -> vector<1x150x3xf32>
    %swap3A_27 = arith.constant 0 : index
    %swap3A_28 = arith.constant 0 : index
    %swap3A_29 = arith.constant 0 : index
    %swap3A_30 = vector.load %arg4[%swap3A_27, %swap3A_28, %swap3A_29] : memref<1x150x3xf32, #tpu.memory_space<vmem>>, vector<1x150x3xf32>
    tpu.vector_store %arg4[%swap3A_27, %swap3A_28, %swap3A_29], %concatenate3A {strides = array<i32>} : memref<1x150x3xf32, #tpu.memory_space<vmem>>, vector<1x150x3xf32>,
    return
  }
  func.func @transform_0(%arg0: i32) -> (i32, i32, i32) {
    %c0_i32 = arith.constant 0 : i32
    %c0_i32_0 = arith.constant 0 : i32
    %c0_i32_1 = arith.constant 0 : i32
    return %arg0, %c0_i32, %c0_i32_0 : i32, i32, i32
  }
  func.func @transform_1(%arg0: i32) -> (i32, i32, i32) {
    %c0_i32 = arith.constant 0 : i32
    %c0_i32_0 = arith.constant 0 : i32
    %c0_i32_1 = arith.constant 0 : i32
    return %arg0, %c0_i32, %c0_i32_0 : i32, i32, i32
  }
  func.func @transform_2(%arg0: i32) -> (i32, i32, i32) {
    %c0_i32 = arith.constant 0 : i32
    %c0_i32_0 = arith.constant 0 : i32
    %c0_i32_1 = arith.constant 0 : i32
    return %arg0, %c0_i32, %c0_i32_0 : i32, i32, i32
  }
  func.func @transform_3(%arg0: i32) -> (i32, i32, i32) {
    %c0_i32 = arith.constant 0 : i32
    %c0_i32_0 = arith.constant 0 : i32
    %c0_i32_1 = arith.constant 0 : i32
    return %arg0, %c0_i32, %c0_i32_0 : i32, i32, i32
  }
}

</mosaic_0001>

<sc_bundles>
// kernel: sparse-core-data-format-call.cloned.1.call-start
scs
called_computation_lowered:
.L_overlay_start_0:
0x0: {  	s2 =	sld [smem:$0x3FD9]  }
0x1: {  	s3 =	sld [smem:$0x3FFE];
	_ =	sdelay $0x1  }
0x2: {  	s1 =	srdreg.scid  }
0x3: {  	s0 =	sand.u32 $0x1, s1  }
0x4: {  	s18 =	sshll.u32 s0, $0xA;
	s2 =	sadd.s32 s3, s2  }
0x5: {  	s2 =	sadd.s32 s2, s18  }
0x6: {  	[smem:$0x3FC6] =	sst s2  }
0x7: {  	_ = 	snop  }
0x8: {  	s2 =	sld [smem:$0x3FD0];
	(tm) =	ssettm $0x1  }
0x9: {  	s19 =	sld [smem:$0x3FFB];
	_ =	sdelay $0x3  }
0xa: {  	_ =	strace s19  }
0xb: {  	s3 =	sld [smem:$0x3FFC];
	_ =	sdelay $0x3  }
0xc: {  	_ =	strace s3  }
0xd: {  	s3 =	sld [smem:$0x3FFD];
	_ =	sdelay $0x3  }
0xe: {  	_ =	strace s3  }
0xf: {  	_ =	strace $0x8FFFFFFF  }
0x10: {  	s20 =	sld [smem:$0x3FDB];
	_ =	sdelay $0x1  }
0x11: {  	s4 =	simm.s32 $_scs_section_size  }
0x12: {  	s5 =	simm.s32 $_size__tile_overlayer_lowered;
	s6 =	simm.s32 $_tile_overlayer_lowered  }
0x13: {  	s23 =	simm.s32 $0x1BFF;
	s22 =	sshll.u32 s6, $0x1;
	s3 =	sadd.s32 s4, s20  }
0x14: {  	s7 =	simm.s32 $0x0;
	s21 =	sshll.u32 s5, $0x1;
	s5 =	sadd.s32 s22, s3  }
0x15: {  	[timem:s7], [sflag:s23] =	dma.local [hbm:s5], s21  }
0x16: {  	_ =	swait.ge [sflag:s23], s21  }
0x17: {  	s4 =	ssub.s32 $0x0, s21;
	[sflag:s23] =	ssyncset.done $0x0  }
0x18: {  	[sflag:s23] =	ssyncadd.s32 s4;
	_ =	sdelay $0x1  }
0x19: {  	s24 =	simm.s32 $0x1B8B  }
0x1a: {  	_ =	swait.ge [sflag:s24], $0x1  }
0x1b: {  	[sflag:s24] =	ssyncset.done $0x0  }
0x1c: {  	s26 =	simm.s32 $0x1B8E;
	s25 =	sld [smem:$0x3FFE];
	[sflag:s24] =	ssyncadd.s32 $0xFFFFFFFF  }
0x1d: {  	s27 =	simm.s32 $execute0_lowered;
	[smem:$0x3FD2] =	sst s26  }
0x1e: {  	s5 =	sshll.u32 s27, $0x1;
	_ =	strace $0x80000046;
	[dreg:$0x1] =	wrdreg $0xFFFFFFFF  }
0x1f: {  	s28 =	simm.s32 $_size_execute0_lowered;
	s3 =	sadd.s32 s3, s5;
	[dreg:$0x0] =	wrdreg $0x0  }
0x20: {  	s5 =	sshll.u32 s28, $0x1;
	[dreg:$0x2] =	wrdreg s3  }
0x21: {  	[dreg:$0x3] =	wrdreg s5  }
0x22: {  	[dreg:$0x4] =	wrdreg $0xC0  }
0x23: {  	_ =	task [dreg:s7], $0x5FFFF  }
0x24: {  	[dreg:$0x1] =	wrdreg $0xFFFFFFFF  }
0x25: {  	[dreg:$0x0] =	wrdreg $0x60  }
0x26: {  	[dreg:$0x2] =	wrdreg s25  }
0x27: {  	[dreg:$0x3] =	wrdreg s2  }
0x28: {  	[dreg:$0x4] =	wrdreg $0x9  }
0x29: {  	_ =	task.clear_ibuf [dreg:s7], $0x5FFFF;
	_ =	strace $0x90000046  }
0x2a: {  	s29 =	simm.s32 $0x9;
	_ =	strace $0x80000048  }
0x2b: {  	_ =	swait.ge [sflag:s29], $0x1  }
0x2c: {  	[sflag:s29] =	ssyncadd.s32 $0xFFFFFFFF  }
0x2d: {  	_ =	strace $0x90000048  }
0x2e: {  	_ =	sfence  }
0x2f: {  	s30 =	sld [smem:$0x0];
	_ =	sdelay $0x2  }
0x30: {  	s31 =	sshll.u32 s1, $0xD;
	s1 =	sshrl.u32 s1, $0x2  }
0x31: {  	s3 =	sand.u32 $0x4000, s31;
	s1 =	sadd.s32 s1, s30  }
0x32: {  	s0 =	sor.u32 s3, s0;
	s1 =	sshll.u32 s1, $0x11  }
0x33: {  	s0 =	sor.u32 s1, s0  }
0x34: {  	s0 =	sadd.s32 $0x8F2B, s0  }
0x35: {  	[sflag:s0] =	ssyncadd.remote.s32 $0x1  }
0x36: {  	_ =	sfence.sel $0xFFFF  }
0x37: {  	[dreg:$0x0] =	wrdreg $0xFFFFFFFF;
	(pc) =	sbr.abs _section_cstart, $3  }
0x38: {  	[dreg:$0x1] =	wrdreg $0xFFFFFFFF  }
0x39: {  	_ =	task.clear_ibuf [dreg:s7], $0x2FFFF;
	_ =	strace $0x9FFFFFFF  }
0x3a: {  	(tm) =	ssettm $0x7FFFFFFF  }
0x3b: {  	_ =	shalt  }
tec
execute0_lowered:
.L_overlay_start_1:
0x0: {  	(tag) =	ssettag $0x1  }
0x1: {  	s3 =	stileid.u32  }
0x2: {  	s0 =	srdreg.scid;
	s2 =	rddreg [dreg:$0x0]  }
0x3: {  	_ =	strace $0x80000047;
	s1 =	sshll.u32 s3, $0x5;
	s0 =	sshll.u32 s0, $0x9  }
0x4: {  	s28 =	simm.s32 $0x1;
	s29 =	simm.s32 $0x2;
	s0 =	sor.u32 s1, s0  }
0x5: {  	s16 =	simm.s32 $0x0;
	p0 =	por $0x0, $0x0;
	s4 =	sand.u32 $0x380, s0  }
0x6: {  	s15 =	simm.s32 $0x0;
	s17 =	simm.s32 $0x0;
	s0 =	ssub.s32 $0x5700, s4  }
0x7: {  	s8 =	simm.s32 $0x0;
	s9 =	simm.s32 $0x0;
	s0 =	sshrl.u32 s0, $0xA  }
0x8: {  	s10 =	simm.s32 $0x0;
	s2 =	sadd.s32 $0x6F5A00, s2;
	s0 =	smul.u32 $0x5, s0  }
.Ltmp0:
0x9: {  	s30 =	sand.u32 $0x3, s3;
	[dreg:$0x4] =	wrdreg s2;
	(pc) =	sbr.rel .LBB1_1-.Ltmp0, $4  }
0xa: {  	s11 =	simm.s32 $0x0;
	s14 =	simm.s32 $0x0;
	[dreg:$0x5] =	wrdreg s30  }
0xb: {  	[sflag:s28] =	ssyncpa.u1 $0x0;
	[dreg:$0x3] =	wrdreg s4;
	s31 =	sadd.s32 $0x5, s0  }
0xc: {  	[sflag:s29] =	ssyncpa.u1 $0x0;
	s7 =	sadd.s32 $0x6, s0;
	[dreg:$0x6] =	wrdreg s31  }
0xd: {  	s13 =	smov.u32 s30;
	s12 =	smov.u32 s4;
	[dreg:$0x7] =	wrdreg s7  }
.LBB1_14:
0xe: {  	s0 =	rddreg [dreg:$0x15]  }
0xf: {  	s10 =	rddreg [dreg:$0xa]  }
0x10: {  	s9 =	rddreg [dreg:$0x9]  }
0x11: {  	s8 =	rddreg [dreg:$0x8]  }
0x12: {  	s5 =	rddreg [dreg:$0x13]  }
0x13: {  	s6 =	rddreg [dreg:$0x14]  }
0x14: {  	s25 =	rddreg [dreg:$0x12]  }
0x15: {  	s27 =	rddreg [dreg:$0x1]  }
0x16: {  	s7 =	rddreg [dreg:$0x7]  }
0x17: {  	s11 =	rddreg [dreg:$0xb]  }
0x18: {  	s12 =	rddreg [dreg:$0xc]  }
0x19: {  	s13 =	rddreg [dreg:$0xd]  }
0x1a: {  	s14 =	rddreg [dreg:$0xe]  }
0x1b: {  	s15 =	rddreg [dreg:$0xf]  }
0x1c: {  	s31 =	simm.s32 $0x15E00;
	s16 =	rddreg [dreg:$0x10]  }
0x1d: {  	s17 =	rddreg [dreg:$0x11];
	s0 =	smul.u32 $0x4080, s0;
	s1 =	sshrl.u32 s10, $0x2  }
0x1e: {  	s2 =	sshll.u32 s9, $0x2;
	s3 =	sand.u32 $0x7F, s9;
	s4 =	sshll.u32 s10, $0x7  }
0x1f: {  	p1 =	sgt.s32 s9, $0x5700;
	p2 =	sgt.s32 s8, $0x1E6;
	s1 =	smul.u32 $0x15E00, s1  }
0x20: {  	s2 =	sand.u32 $0xFFFFFE00, s2;
	s21 =	sand.u32 $0x180, s4;
	s4 =	smov.u32 s9  }
0x21: {  	s26 =	smul.u32 $0x2BC0, s8;
	s4 =	simm.s32 @!p1 $0x5700;
	s1 =	sadd.s32 s1, s2  }
0x22: {  	s0 =	sor.u32 $0x8000, s0;
	s2 =	smov.u32 s8;
	s1 =	sor.u32 s21, s1  }
0x23: {  	s4 =	sadd.s32 s5, s4;
	s2 =	simm.s32 @!p2 $0x1E6;
	s3 =	sor.u32 s3, s1  }
0x24: {  	s23 =	sadd.s32 $0xFFFFA900, s4;
	s4 =	ssub.s32 $0x5780, s4;
	s22 =	smulhi.u32 $0x5D9F7391, s3  }
0x25: {  	s2 =	sadd.s32 s6, s2;
	p1 =	sgt.s32 s23, $0x7F;
	s1 =	smulhi.u32 $0x5D9F7391, s1  }
0x26: {  	s24 =	sadd.s32 $0xFFFFFE1A, s2;
	s4 =	simm.s32 @p1 $0x0;
	s5 =	sshrl.u32 s22, $0xD  }
0x27: {  	s2 =	ssub.s32 $0x266, s2;
	s1 =	sshrl.u32 s1, $0xD;
	s5 =	smul.u32 $0x5780, s5  }
0x28: {  	p2 =	sgt.s32 s24, $0x7F;
	s4 =	smul.u32 s25, s4;
	s1 =	sand.u32 $0x3, s1  }
0x29: {  	s2 =	simm.s32 @p2 $0x0;
	s1 =	smul.u32 $0xAF0, s1;
	s3 =	ssub.s32 s3, s5  }
0x2a: {  	s2 =	smul.u32 s2, s4;
	s4 =	sadd.s32 s27, s26;
	s28 =	sand.u32 $0x7, s3  }
0x2b: {  	s1 =	sadd.s32 s1, s4;
	s3 =	sshrl.u32 s3, $0x3;
	s29 =	sshll.u32 s28, $0x12  }
0x2c: {  	s2 =	sand.u32 $0x3FFFFFFF, s2;
	s1 =	sadd.s32 s3, s1;
	s30 =	sor.u32 $0x80, s29  }
0x2d: {  	[hbm4b:s1+s30] =	stream.strided.scatter [tilespmem:s0], [sflag:$0x2], s2, s31, s30, $0x20;
	[tilespmem:$0x10100] =	vst v63  }
.LBB1_15:
0x2e: {  	p1 =	slt.u32 s14, $0x2;
	s1 =	smov.u32 s17;
	s3 =	smov.u32 s16  }
0x2f: {  	p2 =	sgt.s32 @!p1 s16, $0x1E6;
	s0 =	sshra.s32 @!p1 s16, $0x1F;
	p3 =	sgt.s32 @!p1 s17, $0x3  }
0x30: {  	s2 =	sshra.s32 @!p1 s17, $0x1F;
	s4 =	sshra.s32 @!p1 s15, $0x1F;
	p2 =	por !p2, p1  }
0x31: {  	s0 =	sand.u32 @!p1 s0, s16;
	p3 =	por !p3, p1;
	s2 =	sand.u32 @!p1 s2, s17  }
0x32: {  	s1 =	simm.s32 @p3 $0x3;
	p3 =	sgt.s32 @!p1 s15, $0x5700;
	s3 =	simm.s32 @p2 $0x1E6  }
0x33: {  	s1 =	ssub.s32 @!p1 s1, s2;
	p3 =	por !p3, p1;
	s2 =	smov.u32 s15  }
0x34: {  	s4 =	sand.u32 @!p1 s4, s15;
	s0 =	ssub.s32 @!p1 s3, s0;
	s2 =	simm.s32 @p3 $0x5700  }
0x35: {  	s3 =	sadd.s32 @!p1 $0xFFFFFFFD, s1;
	s1 =	ssub.s32 @!p1 $0x4, s1;
	s2 =	ssub.s32 @!p1 s2, s4  }
0x36: {  	s4 =	sadd.s32 @!p1 $0xFFFFFE1A, s0;
	p2 =	sgt.s32 @!p1 s3, $0x0;
	s3 =	sadd.s32 @!p1 $0xFFFFA900, s2  }
0x37: {  	s0 =	ssub.s32 @!p1 $0x266, s0;
	p2 =	por !p2, p1;
	p3 =	sgt.s32 @!p1 s3, $0x7F  }
0x38: {  	s2 =	ssub.s32 @!p1 $0x5780, s2;
	s1 =	simm.s32 @!p2 $0x0;
	p2 =	por !p3, p1  }
0x39: {  	s3 =	sadd.s32 $0x400, s12;
	p3 =	sgt.s32 @!p1 s4, $0x7F;
	s2 =	simm.s32 @!p2 $0x0  }
0x3a: {  	p2 =	por !p3, p1;
	s1 =	smul.u32 @!p1 s1, s2;
	s2 =	sadd.s32 $0x80, s11  }
0x3b: {  	s4 =	smov.u32 s12;
	s0 =	simm.s32 @!p2 $0x0;
	p2 =	sgt.s32 s2, $0x265  }
0x3c: {  	s0 =	smul.u32 @!p1 s0, s1;
	s4 =	smov.u32 @p2 s3  }
0x3d: {  	s1 =	sadd.s32 $0x4, s13;
	s3 =	smov.u32 s13;
	p3 =	sgt.s32 s4, $0x574D  }
0x3e: {  	s0 =	sand.u32 @!p1 $0x3FFFFFFF, s0;
	s3 =	smov.u32 @p3 s1;
	s1 =	simm.s32 @!p1 $0x2  }
0x3f: {  	_ =	swait.ge @!p1 [sflag:s1], s0  }
0x40: {  	s2 =	simm.s32 @p2 $0x0;
	s5 =	rddreg [dreg:$0x3]  }
0x41: {  	p2 =	sgt.s32 s3, $0x3;
	s4 =	smov.u32 @p3 s5;
	s5 =	rddreg [dreg:$0x5]  }
0x42: {  	s3 =	smov.u32 @p2 s5;
	p2 =	sne.s32 s14, s7  }
.Ltmp1:
0x43: {  	p0 =	por !p0, !p0;
	s16 =	smov.u32 s8;
	(pc) =	sbr.rel @!p2 .LBB1_16-.Ltmp1, $4  }
0x44: {  	s17 =	smov.u32 s10;
	s8 =	smov.u32 s11;
	s10 =	smov.u32 s13  }
0x45: {  	s15 =	smov.u32 s9;
	s0 =	ssub.s32 @!p1 $0x0, s0;
	[sflag:s1] =	ssyncset.done @!p1 $0x0  }
0x46: {  	s9 =	smov.u32 s12;
	s11 =	smov.u32 s2;
	[sflag:s1] =	ssyncadd.s32 @!p1 s0  }
0x47: {  	s14 =	sadd.s32 $0x1, s14;
	s12 =	smov.u32 s4;
	s13 =	smov.u32 s3  }
.LBB1_1:
0x48: {  	s0 =	rddreg [dreg:$0x6]  }
0x49: {  	p1 =	sge.u32 s14, s0  }
0x4a: {  	s3 =	smov.u32 s13;
	s5 =	smov.u32 s12;
	s0 =	sshrl.u32 @!p1 s12, $0x3  }
0x4b: {  	s6 =	smov.u32 s11;
	s1 =	sshll.u32 @!p1 s11, $0x3;
	s0 =	smul.u32 @!p1 $0x1400, s0  }
0x4c: {  	p2 =	sgt.s32 @!p1 s13, $0x3;
	s4 =	sshra.s32 @!p1 s13, $0x1F;
	s1 =	sand.u32 @!p1 $0xFFFFFC00, s1  }
0x4d: {  	p2 =	por !p2, p1;
	s0 =	sadd.s32 @!p1 s0, s1;
	s1 =	sshll.u32 @!p1 s12, $0x7  }
0x4e: {  	s4 =	sand.u32 @!p1 s4, s13;
	s3 =	simm.s32 @p2 $0x3;
	s1 =	sand.u32 @!p1 $0x380, s1  }
0x4f: {  	p2 =	sgt.s32 @!p1 s12, $0x56D0;
	s0 =	sor.u32 @!p1 s1, s0;
	s1 =	ssub.s32 @!p1 s3, s4  }
0x50: {  	s2 =	sand.u32 @!p1 $0x7F, s11;
	p2 =	por !p2, p1;
	s4 =	sadd.s32 @!p1 $0xFFFFFFFD, s1  }
0x51: {  	s5 =	simm.s32 @p2 $0x56D0;
	p2 =	sgt.s32 @!p1 s4, $0x0;
	s4 =	sshra.s32 @!p1 s12, $0x1F  }
0x52: {  	s1 =	ssub.s32 @!p1 $0x4, s1;
	p2 =	por !p2, p1;
	s4 =	sand.u32 @!p1 s4, s12  }
0x53: {  	s1 =	simm.s32 @!p2 $0x0;
	s4 =	ssub.s32 @!p1 s5, s4;
	p2 =	sgt.s32 @!p1 s11, $0x200  }
0x54: {  	s3 =	smulhi.u32 @!p1 $0xCCCCCCCD, s0;
	s5 =	sadd.s32 @!p1 $0xFFFFA930, s4;
	p2 =	por !p2, p1  }
0x55: {  	s6 =	simm.s32 @p2 $0x200;
	p2 =	sgt.s32 @!p1 s5, $0x7F;
	s5 =	sshra.s32 @!p1 s11, $0x1F  }
0x56: {  	s0 =	sor.u32 @!p1 s2, s0;
	s3 =	sshrl.u32 @!p1 s3, $0x9;
	s5 =	sand.u32 @!p1 s5, s11  }
0x57: {  	s4 =	ssub.s32 @!p1 $0x5750, s4;
	p2 =	por !p2, p1;
	s5 =	ssub.s32 @!p1 s6, s5  }
0x58: {  	s6 =	smulhi.u32 @!p1 $0x1774BB, s3;
	s4 =	simm.s32 @!p2 $0x0;
	s2 =	sadd.s32 @!p1 $0xFFFFFE00, s5  }
0x59: {  	s1 =	smul.u32 @!p1 s1, s4;
	s5 =	ssub.s32 @!p1 $0x280, s5;
	p2 =	sgt.s32 @!p1 s2, $0x7F  }
0x5a: {  	s2 =	smulhi.u32 @!p1 $0xCCCCCCCD, s0;
	s4 =	sshrl.u32 @!p1 s6, $0x3;
	p2 =	por !p2, p1  }
0x5b: {  	s4 =	smul.u32 @!p1 $0x5750, s4;
	s5 =	simm.s32 @!p2 $0x0  }
0x5c: {  	s2 =	sshrl.u32 @!p1 s2, $0x9;
	s1 =	smul.u32 @!p1 s5, s1;
	s5 =	sxor.u32 @!p1 $0xFFFFFFFF, s14  }
0x5d: {  	s2 =	smul.u32 @!p1 $0x280, s2;
	s5 =	sshll.u32 @!p1 s5, $0xE  }
0x5e: {  	s3 =	ssub.s32 @!p1 s3, s4;
	s4 =	smul.u32 @!p1 $0x1B4900, s13;
	s5 =	sand.u32 @!p1 $0x4000, s5  }
0x5f: {  	s0 =	ssub.s32 @!p1 s0, s2;
	s2 =	smul.u32 @!p1 $0x50, s3;
	s3 =	rddreg [dreg:$0x4]  }
0x60: {  	s1 =	sand.u32 @!p1 $0x3FFFFFFF, s1;
	s3 =	sadd.s32 @!p1 s3, s4;
	s4 =	sand.u32 @!p1 $0x7, s0  }
0x61: {  	s0 =	sshrl.u32 @!p1 s0, $0x3;
	s2 =	sadd.s32 @!p1 s2, s3;
	s3 =	sshll.u32 @!p1 s4, $0x12  }
0x62: {  	s0 =	sadd.s32 @!p1 s0, s2;
	s2 =	sor.u32 @!p1 $0x400, s3;
	s3 =	simm.s32 @!p1 $0x1400  }
0x63: {  	[tilespmem:s5], [sflag:$0x1] =	stream.strided.gather @!p1 [hbm4b:s0+s2], s1, s3, s2, $0x38;
	[tilespmem:$0x10100] =	vst v63  }
0x64: {  	p1 =	seq.s32 s14, $0x0  }
0x65: {  	p2 =	sge.u32 @!p1 s14, s7  }
0x66: {  	p1 =	por p1, p2  }
.Ltmp2:
0x67: {  	_ = 	snop;
	(pc) =	sbr.rel @p1 .LBB1_15-.Ltmp2, $1  }
0x68: {  	_ =	sdelay $0x3  }
0x69: {  	[dreg:$0x11] =	wrdreg s17  }
0x6a: {  	[dreg:$0x10] =	wrdreg s16  }
0x6b: {  	[dreg:$0xf] =	wrdreg s15  }
0x6c: {  	[dreg:$0xd] =	wrdreg s13  }
0x6d: {  	[dreg:$0xc] =	wrdreg s12  }
0x6e: {  	[dreg:$0xb] =	wrdreg s11;
	p1 =	sgt.s32 s10, $0x3;
	s0 =	smov.u32 s10  }
0x6f: {  	s1 =	sshra.s32 s10, $0x1F;
	s25 =	ssub.s32 $0x0, s9;
	s2 =	sshra.s32 s9, $0x1F  }
0x70: {  	s3 =	smov.u32 s9;
	p2 =	sgt.s32 s8, $0x200;
	s27 =	ssub.s32 $0x0, s8  }
0x71: {  	s28 =	sshra.s32 s8, $0x1F;
	s0 =	simm.s32 @!p1 $0x3;
	s1 =	sand.u32 s1, s10  }
0x72: {  	p1 =	sgt.s32 s9, $0x56D0;
	s29 =	sand.u32 s27, s28;
	s0 =	ssub.s32 s0, s1  }
0x73: {  	s1 =	sand.u32 s25, s2;
	s3 =	simm.s32 @!p1 $0x56D0;
	s2 =	smov.u32 s8  }
0x74: {  	s4 =	sadd.s32 $0xFFFFFFFD, s0;
	[dreg:$0x13] =	wrdreg s1;
	s1 =	sadd.s32 s1, s3  }
0x75: {  	s5 =	ssub.s32 $0x4, s0;
	s2 =	simm.s32 @!p2 $0x200;
	p1 =	sgt.s32 s4, $0x0  }
0x76: {  	s26 =	sadd.s32 $0xFFFFA930, s1;
	s0 =	ssub.s32 $0x5750, s1;
	s1 =	sadd.s32 s29, s2  }
0x77: {  	[dreg:$0x8] =	wrdreg s8;
	s5 =	simm.s32 @p1 $0x0;
	s2 =	sadd.s32 $0xFFFFFE00, s1  }
0x78: {  	s1 =	ssub.s32 $0x280, s1;
	p1 =	sgt.s32 s2, $0x7F;
	s2 =	sadd.s32 $0x1, s10  }
0x79: {  	s3 =	sadd.s32 $0x80, s9;
	s1 =	simm.s32 @p1 $0x0;
	p1 =	slt.s32 s2, $0x4  }
0x7a: {  	p2 =	sgt.s32 s26, $0x7F;
	s2 =	simm.s32 @!p1 $0x4;
	p1 =	slt.s32 s3, $0x574E  }
0x7b: {  	s0 =	simm.s32 @p2 $0x0;
	s23 =	ssub.s32 s2, s10;
	s3 =	simm.s32 @!p1 $0x574E  }
0x7c: {  	s0 =	smul.u32 s5, s0;
	s24 =	ssub.s32 s3, s9;
	p1 =	slt.s32 s23, $0x1  }
0x7d: {  	[dreg:$0xa] =	wrdreg s10;
	p2 =	slt.s32 @!p1 s24, $0x1  }
0x7e: {  	[dreg:$0x9] =	wrdreg s9;
	s0 =	smul.u32 s1, s0;
	p2 =	por p1, p2  }
.Ltmp3:
0x7f: {  	[dreg:$0x14] =	wrdreg s29;
	(pc) =	sbr.rel @p2 .LBB1_14-.Ltmp3, $4  }
0x80: {  	s30 =	simm.s32 $0x1;
	[dreg:$0x12] =	wrdreg s5;
	s0 =	sand.u32 $0x3FFFFFFF, s0  }
0x81: {  	s31 =	sand.u32 $0x1, s14;
	_ =	swait.ge [sflag:s30], s0  }
0x82: {  	s0 =	ssub.s32 $0x0, s0;
	[dreg:$0xe] =	wrdreg s14;
	[sflag:s30] =	ssyncset.done $0x0  }
0x83: {  	[dreg:$0x15] =	wrdreg s31;
	[sflag:s30] =	ssyncadd.s32 s0  }
0x84: {  	s2 =	rddreg [dreg:$0x8]  }
0x85: {  	s0 =	sadd.s32 $0x80, s2  }
0x86: {  	p2 =	slt.s32 s0, $0x266  }
0x87: {  	s1 =	simm.s32 $0x1;
	s0 =	simm.s32 @!p2 $0x266  }
0x88: {  	s1 =	simm.s32 @!p0 $0x0;
	s0 =	ssub.s32 s0, s2  }
0x89: {  	s1 =	smul.u32 $0x10200, s1;
	s0 =	sadd.s32 $0xF, s0  }
0x8a: {  	s25 =	sshrl.u32 s0, $0x8  }
0x8b: {  	s4 =	sshrl.u32 s1, $0x2;
	s3 =	smul.u32 $0x20400, s25  }
.Ltmp4:
0x8c: {  	s29 =	sor.u32 $0x8000, s4;
	(pc) =	sbr.rel .LBB1_4-.Ltmp4, $4  }
0x8d: {  	s26 =	sand.u32 $0xFFFFFFF0, s0;
	s27 =	sand.u32 @!p1 $0xFFFFFF00, s0;
	s31 =	sshll.u32 s25, $0xB  }
0x8e: {  	p2 =	sge.s32 s27, s26;
	s1 =	sadd.s32 s1, s3;
	s3 =	rddreg [dreg:$0x15]  }
0x8f: {  	s28 =	sshll.u32 @!p1 s3, $0xE;
	s1 =	sshra.s32 s1, $0x2;
	p1 =	slt.s32 s0, $0x100  }
0x90: {  	s0 =	simm.s32 $0x0;
	s30 =	sadd.s32 $0x8000, s1;
	s1 =	simm.s32 $0x0  }
.LBB1_13:
0x91: {  	s0 =	sadd.s32 $0x1, s0  }
0x92: {  	p3 =	sne.s32 s0, s23  }
.Ltmp5:
0x93: {  	_ = 	snop;
	(pc) =	sbr.rel @!p3 .LBB1_14-.Ltmp5, $2  }
0x94: {  	_ =	sdelay $0x2  }
0x95: {  	s1 =	sadd.s32 $0x1, s1  }
.LBB1_4:
.Ltmp6:
0x96: {  	s2 =	sand.u32 $0x3, s1;
	(pc) =	sbr.rel .LBB1_5-.Ltmp6, $4  }
0x97: {  	s2 =	smul.u32 $0x204, s2  }
0x98: {  	s3 =	sshll.u32 s0, $0x10;
	s5 =	simm.s32 $0x0;
	s7 =	simm.s32 $0x0  }
0x99: {  	s6 =	simm.s32 $0x0;
	s3 =	sshra.s32 s3, $0x2;
	s4 =	sshrl.u32 s2, $0x2  }
0x9a: {  	s2 =	sadd.s32 s3, s28;
	s9 =	sadd.s32 s4, s29;
	s4 =	sadd.s32 s4, s30  }
.LBB1_12:
0x9b: {  	s6 =	sadd.s32 $0x1, s6  }
0x9c: {  	p3 =	sne.s32 s6, s24  }
.Ltmp7:
0x9d: {  	_ = 	snop;
	(pc) =	sbr.rel @!p3 .LBB1_13-.Ltmp7, $2  }
0x9e: {  	_ =	sdelay $0x2  }
0x9f: {  	s7 =	sadd.s32 $0x1, s7;
	s5 =	sadd.s32 $0x80, s5  }
.LBB1_5:
.Ltmp8:
0xa0: {  	(pc) =	sbr.rel @p1 .LBB1_9-.Ltmp8, $2  }
0xa1: {  	_ =	sdelay $0x2  }
0xa2: {  	s8 =	sand.u32 $0x7F, s7;
	s3 =	sshll.u32 s6, $0x7  }
0xa3: {  	s17 =	sand.u32 $0x380, s3  }
0xa4: {  	s18 =	sadd.s32 s17, s2  }
0xa5: {  	s16 =	simm.s32 $0x480;
	s19 =	simm.s32 $0x700;
	s20 =	simm.s32 $0x500;
	v0 =	vmov s18  }
0xa6: {  	s22 =	simm.s32 $0x580;
	s25 =	simm.s32 $0x600;
	s12 =	simm.s32 $0x680  }
0xa7: {  	s15 =	sadd.s32 $0x780, s5;
	p3 =	sgt.s32 s27, $0x100;
	s19 =	sand.u32 $0x3C00, s19  }
0xa8: {  	s17 =	simm.s32 $0x780;
	s19 =	sadd.s32 s3, s19;
	s18 =	sand.u32 $0x3C00, s16  }
0xa9: {  	s20 =	sand.u32 $0x3C00, s20;
	s19 =	sand.u32 $0x3C00, s19;
	s18 =	sadd.s32 s3, s18  }
0xaa: {  	s22 =	sand.u32 $0x3C00, s22;
	s20 =	sadd.s32 s3, s20;
	s18 =	sand.u32 $0x3C00, s18;
	v3 =	vld.idx.msk [tilespmem:v0+s19+$0x60 ss:$0x1], $0xffff  }
0xab: {  	s12 =	sand.u32 $0x3C00, s12;
	s22 =	sadd.s32 s3, s22;
	s11 =	sand.u32 $0x3C00, s20;
	v7 =	vld.idx.msk [tilespmem:v0+s18+$0x10 ss:$0x1], $0xffff  }
0xac: {  	s10 =	sand.u32 $0x3C00, s25;
	s12 =	sadd.s32 s3, s12;
	s14 =	sand.u32 $0x3C00, s22;
	v1 =	vld.idx.msk [tilespmem:v0+s11+$0x20 ss:$0x1], $0xffff  }
.Ltmp9:
0xad: {  	s13 =	sadd.s32 s3, s10;
	s12 =	sand.u32 $0x3C00, s12;
	v6 =	vld.idx.msk [tilespmem:v0+s14+$0x30 ss:$0x1], $0xffff;
	(pc) =	sbr.rel @!p3 .LBB1_8-.Ltmp9, $4  }
0xae: {  	s16 =	sadd.s32 $0xFFFFF880, s15;
	s17 =	sand.u32 $0x3C00, s17;
	s19 =	sand.u32 $0x3C00, s13;
	v2 =	vld.idx.msk [tilespmem:v0+s12+$0x50 ss:$0x1], $0xffff  }
0xaf: {  	s21 =	sadd.s32 s8, s9;
	s20 =	sand.u32 $0x3C00, s16;
	s17 =	sadd.s32 s3, s17;
	v4 =	vld.idx.msk [tilespmem:v0+s19+$0x40 ss:$0x1], $0xffff  }
0xb0: {  	s25 =	simm.s32 $0x100;
	s22 =	sadd.s32 $0xFFFFFC80, s15;
	s17 =	sand.u32 $0x3C00, s17;
	v5 =	vld.idx.msk [tilespmem:v0+s20+$0x10 ss:$0x1], $0xffff;
	[tilespmem:s21+$0x70E0 ss:$0x81] =	vst.msk $0xffff, v3  }
0xb1: {  	s18 =	simm.s32 $0xF80;
	s19 =	sand.u32 $0x3C00, s22;
	s22 =	smov.u32 s21;
	v3 =	vld.idx.msk [tilespmem:v0+s20+$0x0 ss:$0x1], $0xffff;
	[tilespmem:s21+$0x4890 ss:$0x81] =	vst.msk $0xffff, v7  }
.LBB1_7:
0xb2: {  	s12 =	sadd.s32 $0xFFFFFD00, s18;
	s10 =	sadd.s32 $0xFFFFFF80, s18;
	s25 =	sadd.s32 $0x100, s25;
	v7 =	vld.idx.msk [tilespmem:v0+s20+$0x20 ss:$0x1], $0xffff;
	[tilespmem:s21+$0x50A0 ss:$0x81] =	vst.msk $0xffff, v1  }
0xb3: {  	s11 =	sadd.s32 $0xFFFFFD80, s18;
	s10 =	sand.u32 $0x3C00, s10;
	p3 =	slt.s32 s25, s27;
	v1 =	vld.idx.msk [tilespmem:v0+s20+$0x30 ss:$0x1], $0xffff;
	[tilespmem:s21+$0x58B0 ss:$0x81] =	vst.msk $0xffff, v6  }
0xb4: {  	s16 =	sadd.s32 $0xFFFFFE00, s18;
	s13 =	sadd.s32 $0xFFFFFE80, s18;
	s10 =	sadd.s32 s3, s10;
	v6 =	vld.idx.msk [tilespmem:v0+s20+$0x40 ss:$0x1], $0xffff;
	[tilespmem:s21+$0x60C0 ss:$0x81] =	vst.msk $0xffff, v4  }
0xb5: {  	s15 =	sadd.s32 $0xFFFFFF00, s18;
	s12 =	sand.u32 $0x3C00, s12;
	s10 =	sand.u32 $0x3C00, s10;
	v4 =	vld.idx.msk [tilespmem:v0+s20+$0x50 ss:$0x1], $0xffff;
	[tilespmem:s21+$0x68D0 ss:$0x81] =	vst.msk $0xffff, v2  }
0xb6: {  	s11 =	sand.u32 $0x3C00, s11;
	s16 =	sand.u32 $0x3C00, s16;
	s13 =	sand.u32 $0x3C00, s13;
	v2 =	vld.idx.msk [tilespmem:v0+s10+$0x60 ss:$0x1], $0xffff;
	[tilespmem:s21+$0x0 ss:$0x81] =	vst.msk $0xffff, v3  }
0xb7: {  	s14 =	sand.u32 $0x3C00, s18;
	s15 =	sand.u32 $0x3C00, s15;
	s10 =	sadd.s32 s18, s5;
	[tilespmem:s21+$0x810 ss:$0x81] =	vst.msk $0xffff, v5;
	v3 =	vld.idx.msk [tilespmem:v0+s20+$0x60 ss:$0x1], $0xffff  }
0xb8: {  	s12 =	sadd.s32 s3, s12;
	s11 =	sadd.s32 s3, s11;
	s16 =	sadd.s32 s3, s16;
	[tilespmem:s21+$0x1020 ss:$0x81] =	vst.msk $0xffff, v7;
	v5 =	vld.idx.msk [tilespmem:v0+s20+$0x70 ss:$0x1], $0xffff  }
0xb9: {  	s13 =	sadd.s32 s3, s13;
	s15 =	sadd.s32 s3, s15;
	s20 =	sadd.s32 $0xFFFFF880, s10;
	[tilespmem:s21+$0x1830 ss:$0x81] =	vst.msk $0xffff, v1;
	v7 =	vld.idx.msk [tilespmem:v0+s19+$0x0 ss:$0x1], $0xffff  }
0xba: {  	s14 =	sadd.s32 s3, s14;
	s12 =	sand.u32 $0x3C00, s12;
	s10 =	sadd.s32 $0xFFFFFC80, s10;
	[tilespmem:s21+$0x2040 ss:$0x81] =	vst.msk $0xffff, v6;
	v8 =	vld.idx.msk [tilespmem:v0+s17+$0x70 ss:$0x1], $0xffff  }
0xbb: {  	s11 =	sand.u32 $0x3C00, s11;
	s21 =	sadd.s32 $0x8100, s21;
	v9 =	vld.idx.msk [tilespmem:v0+s12+$0x10 ss:$0x1], $0xffff;
	s12 =	sand.u32 $0x3C00, s16;
	[tilespmem:s22+$0x2850 ss:$0x81] =	vst.msk $0xffff, v4  }
0xbc: {  	s20 =	sand.u32 $0x3C00, s20;
	v1 =	vld.idx.msk [tilespmem:v0+s11+$0x20 ss:$0x1], $0xffff;
	s11 =	sand.u32 $0x3C00, s13;
	s13 =	sand.u32 $0x3C00, s15;
	[tilespmem:s21+$0x70E0 ss:$0x81] =	vst.msk $0xffff, v2  }
.Ltmp10:
0xbd: {  	s19 =	sand.u32 $0x3C00, s10;
	s17 =	sand.u32 $0x3C00, s14;
	v6 =	vld.idx.msk [tilespmem:v0+s12+$0x30 ss:$0x1], $0xffff;
	[tilespmem:s22+$0x3060 ss:$0x81] =	vst.msk $0xffff, v3;
	(pc) =	sbr.rel @p3 .LBB1_7-.Ltmp10, $4  }
0xbe: {  	v4 =	vld.idx.msk [tilespmem:v0+s11+$0x40 ss:$0x1], $0xffff;
	[tilespmem:s22+$0x3870 ss:$0x81] =	vst.msk $0xffff, v5  }
0xbf: {  	v2 =	vld.idx.msk [tilespmem:v0+s13+$0x50 ss:$0x1], $0xffff;
	[tilespmem:s22+$0x4080 ss:$0x81] =	vst.msk $0xffff, v7  }
0xc0: {  	v3 =	vld.idx.msk [tilespmem:v0+s20+$0x0 ss:$0x1], $0xffff;
	[tilespmem:s22+$0x78F0 ss:$0x81] =	vst.msk $0xffff, v8;
	s22 =	smov.u32 s21  }
0xc1: {  	s18 =	sadd.s32 $0x800, s18;
	v5 =	vld.idx.msk [tilespmem:v0+s20+$0x10 ss:$0x1], $0xffff;
	[tilespmem:s21+$0x4890 ss:$0x81] =	vst.msk $0xffff, v9  }
.LBB1_8:
0xc2: {  	_ =	sdelay $0x2  }
0xc3: {  	[tilespmem:s21+$0x50A0 ss:$0x81] =	vst.msk $0xffff, v1  }
0xc4: {  	v56 =	vld.idx.msk [tilespmem:v0+s20+$0x20 ss:$0x1], $0xffff;
	[tilespmem:s21+$0x58B0 ss:$0x81] =	vst.msk $0xffff, v6  }
0xc5: {  	v57 =	vld.idx.msk [tilespmem:v0+s20+$0x30 ss:$0x1], $0xffff;
	[tilespmem:s21+$0x60C0 ss:$0x81] =	vst.msk $0xffff, v4  }
0xc6: {  	v58 =	vld.idx.msk [tilespmem:v0+s20+$0x40 ss:$0x1], $0xffff;
	[tilespmem:s21+$0x68D0 ss:$0x81] =	vst.msk $0xffff, v2  }
0xc7: {  	v59 =	vld.idx.msk [tilespmem:v0+s20+$0x50 ss:$0x1], $0xffff;
	[tilespmem:s21+$0x0 ss:$0x81] =	vst.msk $0xffff, v3  }
0xc8: {  	v60 =	vld.idx.msk [tilespmem:v0+s20+$0x60 ss:$0x1], $0xffff;
	[tilespmem:s21+$0x810 ss:$0x81] =	vst.msk $0xffff, v5  }
0xc9: {  	v61 =	vld.idx.msk [tilespmem:v0+s20+$0x70 ss:$0x1], $0xffff;
	[tilespmem:s21+$0x1020 ss:$0x81] =	vst.msk $0xffff, v56  }
0xca: {  	v62 =	vld.idx.msk [tilespmem:v0+s19+$0x0 ss:$0x1], $0xffff;
	[tilespmem:s21+$0x1830 ss:$0x81] =	vst.msk $0xffff, v57  }
0xcb: {  	v63 =	vld.idx.msk [tilespmem:v0+s17+$0x70 ss:$0x1], $0xffff;
	[tilespmem:s21+$0x2040 ss:$0x81] =	vst.msk $0xffff, v58  }
0xcc: {  	[tilespmem:s22+$0x2850 ss:$0x81] =	vst.msk $0xffff, v59  }
0xcd: {  	[tilespmem:s22+$0x3060 ss:$0x81] =	vst.msk $0xffff, v60  }
0xce: {  	[tilespmem:s22+$0x3870 ss:$0x81] =	vst.msk $0xffff, v61  }
0xcf: {  	[tilespmem:s22+$0x4080 ss:$0x81] =	vst.msk $0xffff, v62  }
0xd0: {  	[tilespmem:s22+$0x78F0 ss:$0x81] =	vst.msk $0xffff, v63  }
.LBB1_9:
.Ltmp11:
0xd1: {  	(pc) =	sbr.rel @p2 .LBB1_12-.Ltmp11, $1  }
0xd2: {  	_ =	sdelay $0x3  }
0xd3: {  	s17 =	sand.u32 $0x380, s3;
	s8 =	sadd.s32 s8, s4  }
0xd4: {  	s18 =	smov.u32 s31;
	s19 =	smov.u32 s27;
	s17 =	sadd.s32 s17, s2  }
.LBB1_11:
0xd5: {  	s10 =	sand.u32 $0x3C00, s18  }
0xd6: {  	s10 =	sadd.s32 s3, s10  }
0xd7: {  	s10 =	sand.u32 $0x3C00, s10  }
0xd8: {  	s11 =	sand.u32 $0x70, s19;
	s10 =	sadd.s32 s10, s17  }
0xd9: {  	s19 =	sadd.s32 $0x10, s19;
	s10 =	sadd.s32 s11, s10  }
0xda: {  	p3 =	slt.s32 s19, s26;
	v0 =	vld [tilespmem:s10+$0x0]  }
.Ltmp12:
0xdb: {  	_ = 	snop;
	(pc) =	sbr.rel @p3 .LBB1_11-.Ltmp12, $2  }
0xdc: {  	_ =	sdelay $0x2  }
0xdd: {  	s18 =	sadd.s32 $0x80, s18;
	[tilespmem:s8+$0x0 ss:$0x81] =	vst.msk $0xffff, v0;
	s8 =	sadd.s32 $0x810, s8  }
.Ltmp13:
0xde: {  	_ = 	snop;
	(pc) =	sbr.rel .LBB1_12-.Ltmp13, $1  }
0xdf: {  	_ =	sdelay $0x3  }
.LBB1_16:
0xe0: {  	_ =	sfence.sel $0x180000  }
0xe1: {  	s0 =	simm.s32 $0x1;
	[bflag:$0x0] =	sbarrier.arrive $0xFFFF  }
0xe2: {  	s30 =	simm.s32 $0x2;
	[sflag:s0] =	ssyncpa.u1 $0x1  }
0xe3: {  	[sflag:s30] =	ssyncpa.u1 $0x1  }
0xe4: {  	_ =	strace $0x90000047  }
0xe5: {  	s31 =	stileid.u32;
	[bflag:$0x2] =	sbarrier.arrive $0xFFFF  }
0xe6: {  	p0 =	sne.s32 s31, $0x0;
	s0 =	rddreg [dreg:$0x2]  }
0xe7: {  	s0 =	sadd.s32 @!p0 $0x100000, s0  }
0xe8: {  	[sflag:s0] =	ssyncadd.tile.s32 @!p0 $0x1;
	_ =	shalt  }
.Lfunc_end1:
_tile_overlayer_lowered:
.L_overlay_start_2:
0xe9: {  	(tag) =	ssettag $0x2  }
0xea: {  	s0 =	rddreg [dreg:$0x0];
	s2 =	stileid.u32  }
0xeb: {  	s1 =	rddreg [dreg:$0x1];
	p0 =	sne.s32 s2, $0x0  }
0xec: {  	s3 =	rddreg [dreg:$0x2];
	[bflag:$0x3] =	sbarrier.arrive $0xFFFF;
	s2 =	simm.s32 @!p0 $0x1C01  }
0xed: {  	[timem:s3], [sflag:s2] =	dma.local @!p0 [hbm:s0], s1  }
0xee: {  	s0 =	simm.s32 @!p0 $0x1  }
0xef: {  	_ =	swait.ge @!p0 [sflag:s0], s1  }
0xf0: {  	s1 =	ssub.s32 @!p0 $0x0, s1;
	[sflag:s0] =	ssyncset.done @!p0 $0x0  }
0xf1: {  	[sflag:s0] =	ssyncadd.s32 @!p0 s1  }
0xf2: {  	[bflag:$0x3] =	sbarrier.arrive $0xFFFF  }
0xf3: {  	_ =	shalt  }

</sc_bundles>
